<compile_context>
chip_gen: v7x
topology: tpu7x:2x2x1
jax: 0.10.2.dev20260603
libtpu: 0.0.44.dev20260713+nightly
codegen_flags: <defaults>
</compile_context>

<pallas_src>
import functools

import jax
import jax.numpy as jnp
from jax import lax
from jax.experimental import pallas as pl
from jax.experimental.pallas import tpu as pltpu
from jax.experimental.pallas import tpu_sc as plsc

MARGIN = 1.0
GAMMA = 0.9
LAMBDA = 1.0
EPS = 1e-12
B = 4096
JB = 512
NJB = B // JB

_NC = 2
_NS = 16
_NW = _NC * _NS
_BPW = B // _NW

_LANES = 128
_NROWS = (1000000 + _LANES - 1) // _LANES
_CHUNK = 16


def _sc_gather_body(ua_hbm, up_hbm, idx_hbm, oa_hbm, op_hbm,
                    idx_v, row_v, rows_a, rows_p, sem_a, sem_p):
    wid = lax.axis_index("s") * _NC + lax.axis_index("c")
    base = wid * _BPW
    pltpu.sync_copy(idx_hbm.at[pl.ds(base, _BPW)], idx_v)
    for t in range(_BPW // _CHUNK):
        v = idx_v[pl.ds(t * _CHUNK, _CHUNK)]
        row_v[pl.ds(t * _CHUNK, _CHUNK)] = lax.shift_right_logical(v, 7)
    cp_a = pltpu.async_copy(ua_hbm.at[row_v], rows_a, sem_a)
    cp_p = pltpu.async_copy(up_hbm.at[row_v], rows_p, sem_p)
    cp_a.wait()
    cp_p.wait()
    pltpu.sync_copy(rows_a, oa_hbm.at[pl.ds(base, _BPW), :])
    pltpu.sync_copy(rows_p, op_hbm.at[pl.ds(base, _BPW), :])


def _sc_gather(ua_pad, up_pad, idx32):
    run = functools.partial(
        pl.kernel,
        mesh=plsc.VectorSubcoreMesh(core_axis_name="c", subcore_axis_name="s"),
        out_type=[
            jax.ShapeDtypeStruct((B, _LANES), jnp.float32),
            jax.ShapeDtypeStruct((B, _LANES), jnp.float32),
        ],
        scratch_types=[
            pltpu.VMEM((_BPW,), jnp.int32),
            pltpu.VMEM((_BPW,), jnp.int32),
            pltpu.VMEM((_BPW, _LANES), jnp.float32),
            pltpu.VMEM((_BPW, _LANES), jnp.float32),
            pltpu.SemaphoreType.DMA,
            pltpu.SemaphoreType.DMA,
        ],
    )(_sc_gather_body)
    return run(ua_pad, up_pad, idx32)


def _dup_body(a_col_ref, idx_col_ref, pos_col_ref, idx_row_ref, aw_ref):
    a_col = a_col_ref[...]
    idx_col = idx_col_ref[...]
    posb_col = pos_col_ref[...] > 0.0

    r_iota = jax.lax.broadcasted_iota(jnp.int32, (B, JB), 0)

    def blk(j, _):
        c0 = j * JB
        idx_blk = idx_row_ref[:, pl.ds(c0, JB)]
        match = (idx_blk == idx_col) & posb_col
        score = jnp.where(match, r_iota, -1)
        w_blk = jnp.max(score, axis=0, keepdims=True)
        onehot = r_iota == w_blk
        aw_ref[:, pl.ds(c0, JB)] = jnp.sum(
            jnp.where(onehot, a_col, 0.0), axis=0, keepdims=True)
        return 0

    jax.lax.fori_loop(0, NJB, blk, 0)


def _loss_body(a_row_ref, pos_row_ref, b_row_ref, idx_col_ref, aw_ref,
               ra_ref, rp_ref, out_ref):
    a = a_row_ref[...]
    pm = pos_row_ref[...]
    k = jnp.sum(pm)
    fb = jnp.float32(B)
    s1 = jnp.sum(a)
    s2 = jnp.sum(a * a)
    p1 = jnp.sum(pm * a)
    p2 = jnp.sum(pm * a * a)

    c = MARGIN - a
    sa = fb * c * c + 2.0 * c * s1 + s2
    sp = k * c * c + 2.0 * c * p1 + p2

    cw = MARGIN - aw_ref[...]
    saw = fb * cw * cw + 2.0 * cw * s1 + s2
    spw = k * cw * cw + 2.0 * cw * p1 + p2

    lane_col = lax.bitwise_and(idx_col_ref[...], 127)
    l_iota = jax.lax.broadcasted_iota(jnp.int32, (B, _LANES), 1)
    sel = l_iota == lane_col
    ua_col = jnp.sum(jnp.where(sel, ra_ref[...], 0.0), axis=1, keepdims=True)
    up_col = jnp.sum(jnp.where(sel, rp_ref[...], 0.0), axis=1, keepdims=True)
    ua_g = ua_col.reshape(1, B)
    up_g = up_col.reshape(1, B)

    inv_b = jnp.float32(1.0 / B)
    g_all = (1.0 - GAMMA) * ua_g + GAMMA * saw * inv_b
    g_pos = (1.0 - GAMMA) * up_g + GAMMA * spw * inv_b
    denom = jnp.where(pm > 0.0, g_all * g_all, 1.0)
    nat = jnp.sum(pm * (g_pos * sa - g_all * sp) / denom) / (k * fb)

    b = b_row_ref[...]
    one_m_a = 1.0 - a
    f1 = jnp.where(a > 0.0, a * jnp.log(jnp.maximum(a, EPS)), 0.0) \
        - a * jnp.log(b + EPS)
    f2 = jnp.where(one_m_a > 0.0,
                   one_m_a * jnp.log(jnp.maximum(one_m_a, EPS)), 0.0) \
        - one_m_a * jnp.log((1.0 - b) + EPS)
    kl = jnp.sum(f1 + f2) * inv_b

    out_ref[...] = jnp.reshape(nat + LAMBDA * kl, (1, 1))


def kernel(y_pred, y_pred_adv, u_all, u_pos, y_true, index_s):
    a_col = y_pred.astype(jnp.float32).reshape(B, 1)
    a_row = a_col.reshape(1, B)
    idx32 = index_s.astype(jnp.int32)
    idx_col = idx32.reshape(B, 1)
    idx_row = idx32.reshape(1, B)
    pos = (y_true.reshape(B) == 1).astype(jnp.float32)
    pos_col = pos.reshape(B, 1)
    pos_row = pos.reshape(1, B)
    b_row = y_pred_adv.astype(jnp.float32).reshape(1, B)

    pad = _NROWS * _LANES - u_all.shape[0]
    ua_pad = jnp.pad(u_all.reshape(-1), (0, pad)).reshape(_NROWS, _LANES)
    up_pad = jnp.pad(u_pos.reshape(-1), (0, pad)).reshape(_NROWS, _LANES)
    ra, rp = _sc_gather(ua_pad, up_pad, idx32)

    aw = pl.pallas_call(
        _dup_body,
        out_shape=jax.ShapeDtypeStruct((1, B), jnp.float32),
    )(a_col, idx_col, pos_col, idx_row)

    out = pl.pallas_call(
        _loss_body,
        out_shape=jax.ShapeDtypeStruct((1, 1), jnp.float32),
    )(a_row, pos_row, b_row, idx_col, aw, ra, rp)
    return out[0, 0]

# --- scband reference (transcript-rebuilt; emitter-appended) ---
"""Pipeline reference for scband-ad-ap-pz-52587579572535 (READ-ONLY COPY).

The authoritative reference and input builder live on the scoring server;
editing this copy changes nothing except your own understanding.
"""

import jax, jax.numpy as jnp
import numpy as np

MARGIN = 1.0
GAMMA = 0.9
LAMBDA = 1.0
EPS = 1e-12
DATA_LENGTH = 1000000
B = 4096


def setup_inputs(seed: int = 0) -> dict:
    key = jax.random.key(seed)
    k1, k2, k3, k4 = jax.random.split(key, 4)
    y_pred = jax.random.uniform(k1, (B, 1), dtype=jnp.float32)
    y_pred_adv = jax.random.uniform(k2, (B, 1), dtype=jnp.float32)
    y_true = jax.random.randint(k3, (B, 1), 0, 2).astype(jnp.int64)
    index_s = jax.random.randint(k4, (B,), 0, DATA_LENGTH).astype(jnp.int64)
    u_all = jnp.zeros((DATA_LENGTH, 1), dtype=jnp.float32)
    u_pos = jnp.zeros((DATA_LENGTH, 1), dtype=jnp.float32)
    return {"y_pred": y_pred, "y_pred_adv": y_pred_adv, "u_all": u_all, "u_pos": u_pos, "y_true": y_true, "index_s": index_s}


def reference(y_pred, y_pred_adv, u_all, u_pos, y_true, index_s):
    yt = jnp.squeeze(y_true)
    pos_mask = (yt == 1)
    flat = y_pred.reshape(-1)
    f_all = flat.reshape(-1, 1)
    mat_data = jnp.tile(flat[None, :], (f_all.shape[0], 1))
    sur_loss = jnp.maximum(MARGIN - (f_all - mat_data), jnp.zeros_like(mat_data)) ** 2
    pm = pos_mask.reshape(-1).astype(sur_loss.dtype)
    pos_sur_loss = sur_loss * pm
    oob = jnp.asarray(u_all.shape[0], dtype=index_s.dtype)
    idx_masked = jnp.where(pos_mask, index_s, oob)
    u_all_new = u_all.at[idx_masked].set((1.0 - GAMMA) * u_all[idx_masked] + GAMMA * jax.lax.stop_gradient(jnp.mean(sur_loss, axis=1, keepdims=True)))
    u_pos_new = u_pos.at[idx_masked].set((1.0 - GAMMA) * u_pos[idx_masked] + GAMMA * jax.lax.stop_gradient(jnp.mean(pos_sur_loss, axis=1, keepdims=True)))
    g_all = u_all_new[index_s]
    g_pos = u_pos_new[index_s]
    num = g_pos - g_all * pm
    denom = jnp.where(pos_mask.reshape(-1, 1), g_all ** 2, jnp.ones_like(g_all))
    p = jax.lax.stop_gradient(num / denom)
    row_mask = pm.reshape(-1, 1)
    k = jnp.sum(pm)
    nat_loss = jnp.sum(row_mask * p * sur_loss) / (k * sur_loss.shape[1])
    y_prob = jnp.concatenate([y_pred, 1.0 - y_pred], axis=-1)
    y_prob_adv = jnp.concatenate([y_pred_adv, 1.0 - y_pred_adv], axis=-1)
    log_inp = jnp.log(y_prob_adv + EPS)
    t = y_prob
    kl = jnp.sum(jnp.where(t > 0, t * jnp.log(jnp.maximum(t, EPS)), 0.0) - t * log_inp) / t.shape[0]
    loss = nat_loss + LAMBDA * kl
    return loss

if __name__ == "__main__":
    import jax
    _d = setup_inputs()
    print(jax.jit(kernel)(*tuple(_d.values())))

</pallas_src>

<mosaic_0001>
#map = affine_map<(d0, d1) -> (0, 0)>
#map1 = affine_map<(d0, d1) -> (0)>
module attributes {stable_mosaic.version = 14 : i64} {
  func.func @_sc_gather_body(%arg0: i32, %arg1: i32, %arg2: memref<7813x128xf32, #tpu.memory_space<hbm>>, %arg3: memref<7813x128xf32, #tpu.memory_space<hbm>>, %arg4: memref<4096xi32, #tpu.memory_space<hbm>>, %arg5: memref<4096x128xf32, #tpu.memory_space<hbm>>, %arg6: memref<4096x128xf32, #tpu.memory_space<hbm>>, %arg7: memref<128xi32, #tpu.memory_space<vmem>>, %arg8: memref<128xi32, #tpu.memory_space<vmem>>, %arg9: memref<128x128xf32, #tpu.memory_space<vmem>>, %arg10: memref<128x128xf32, #tpu.memory_space<vmem>>, %arg11: memref<!tpu.dma_semaphore, #tpu.memory_space<semaphore_mem>>, %arg12: memref<!tpu.dma_semaphore, #tpu.memory_space<semaphore_mem>>) attributes {dimension_semantics = [#tpu.dimension_semantics<core_parallel>, #tpu.dimension_semantics<subcore_parallel>], iteration_bounds = array<i64: 2, 16>, scalar_prefetch = 0 : i64, scratch_operands = 6 : i64, tpu.core_type = #tpu.core_type<sc_vector_subcore>, window_params = [{transform_indices = #map}, {transform_indices = #map}, {transform_indices = #map1}, {transform_indices = #map}, {transform_indices = #map}]} {
    %mul3A = arith.constant 2 : i32
    %mul3A_0 = arith.muli %arg1, %mul3A : i32
    %add3A = arith.addi %mul3A_0, %arg0 : i32
    %mul3A_1 = arith.constant 128 : i32
    %mul3A_2 = arith.muli %add3A, %mul3A_1 : i32
    "tpu.region"() ({
      %run_scoped3A = tpu.sem_alloc : memref<!tpu.dma_semaphore, #tpu.memory_space<semaphore_mem>>
      %dma_start3A_90 = tpu.memref_slice %arg4[%mul3A_2] : memref<4096xi32, #tpu.memory_space<hbm>> -> memref<128xi32, #tpu.memory_space<hbm>>
      %dma_start3A_91 = tpu.memref_slice %arg4[%mul3A_2] : memref<4096xi32, #tpu.memory_space<hbm>> -> memref<128xi32, #tpu.memory_space<hbm>>
      tpu.enqueue_dma source(%dma_start3A_91 : memref<128xi32, #tpu.memory_space<hbm>>) target(%arg7 : memref<128xi32, #tpu.memory_space<vmem>>) target_semaphore(%run_scoped3A : memref<!tpu.dma_semaphore, #tpu.memory_space<semaphore_mem>>)
      %dma_wait3A_92 = tpu.memref_slice %arg4[%mul3A_2] : memref<4096xi32, #tpu.memory_space<hbm>> -> memref<128xi32, #tpu.memory_space<hbm>>
      %dma_wait3A_93 = tpu.memref_slice %arg4[%mul3A_2] : memref<4096xi32, #tpu.memory_space<hbm>> -> memref<128xi32, #tpu.memory_space<hbm>>
      tpu.wait_dma2 semaphore(%run_scoped3A : memref<!tpu.dma_semaphore, #tpu.memory_space<semaphore_mem>>) src(%dma_wait3A_93 : memref<128xi32, #tpu.memory_space<hbm>>) dst(%arg7 : memref<128xi32, #tpu.memory_space<vmem>>)
      tpu.yield
    }) : () -> ()
    %get3A = arith.constant 0 : index
    %get3A_3 = tpu.vector_load %arg7[%get3A] {strides = array<i32>} : memref<128xi32, #tpu.memory_space<vmem>>, vector<16xi32>,
    %get3A_4 = vector.shape_cast %get3A_3 : vector<16xi32> to vector<16xi32>
    %shift_right_logical3A = arith.constant 7 : i32
    %shift_right_logical3A_5 = vector.broadcast %shift_right_logical3A : i32 to vector<16xi32>
    %shift_right_logical3A_6 = arith.shrui %get3A_4, %shift_right_logical3A_5 : vector<16xi32>
    %swap3A = arith.constant 0 : index
    %swap3A_7 = tpu.vector_load %arg8[%swap3A] {strides = array<i32>} : memref<128xi32, #tpu.memory_space<vmem>>, vector<16xi32>,
    %swap3A_8 = vector.shape_cast %swap3A_7 : vector<16xi32> to vector<16xi32>
    %swap3A_9 = vector.shape_cast %shift_right_logical3A_6 : vector<16xi32> to vector<16xi32>
    tpu.vector_store %arg8[%swap3A], %swap3A_9 {strides = array<i32>} : memref<128xi32, #tpu.memory_space<vmem>>, vector<16xi32>,
    %get3A_10 = arith.constant 16 : index
    %get3A_11 = tpu.vector_load %arg7[%get3A_10] {strides = array<i32>} : memref<128xi32, #tpu.memory_space<vmem>>, vector<16xi32>,
    %get3A_12 = vector.shape_cast %get3A_11 : vector<16xi32> to vector<16xi32>
    %shift_right_logical3A_13 = arith.constant 7 : i32
    %shift_right_logical3A_14 = vector.broadcast %shift_right_logical3A_13 : i32 to vector<16xi32>
    %shift_right_logical3A_15 = arith.shrui %get3A_12, %shift_right_logical3A_14 : vector<16xi32>
    %swap3A_16 = arith.constant 16 : index
    %swap3A_17 = tpu.vector_load %arg8[%swap3A_16] {strides = array<i32>} : memref<128xi32, #tpu.memory_space<vmem>>, vector<16xi32>,
    %swap3A_18 = vector.shape_cast %swap3A_17 : vector<16xi32> to vector<16xi32>
    %swap3A_19 = vector.shape_cast %shift_right_logical3A_15 : vector<16xi32> to vector<16xi32>
    tpu.vector_store %arg8[%swap3A_16], %swap3A_19 {strides = array<i32>} : memref<128xi32, #tpu.memory_space<vmem>>, vector<16xi32>,
    %get3A_20 = arith.constant 32 : index
    %get3A_21 = tpu.vector_load %arg7[%get3A_20] {strides = array<i32>} : memref<128xi32, #tpu.memory_space<vmem>>, vector<16xi32>,
    %get3A_22 = vector.shape_cast %get3A_21 : vector<16xi32> to vector<16xi32>
    %shift_right_logical3A_23 = arith.constant 7 : i32
    %shift_right_logical3A_24 = vector.broadcast %shift_right_logical3A_23 : i32 to vector<16xi32>
    %shift_right_logical3A_25 = arith.shrui %get3A_22, %shift_right_logical3A_24 : vector<16xi32>
    %swap3A_26 = arith.constant 32 : index
    %swap3A_27 = tpu.vector_load %arg8[%swap3A_26] {strides = array<i32>} : memref<128xi32, #tpu.memory_space<vmem>>, vector<16xi32>,
    %swap3A_28 = vector.shape_cast %swap3A_27 : vector<16xi32> to vector<16xi32>
    %swap3A_29 = vector.shape_cast %shift_right_logical3A_25 : vector<16xi32> to vector<16xi32>
    tpu.vector_store %arg8[%swap3A_26], %swap3A_29 {strides = array<i32>} : memref<128xi32, #tpu.memory_space<vmem>>, vector<16xi32>,
    %get3A_30 = arith.constant 48 : index
    %get3A_31 = tpu.vector_load %arg7[%get3A_30] {strides = array<i32>} : memref<128xi32, #tpu.memory_space<vmem>>, vector<16xi32>,
    %get3A_32 = vector.shape_cast %get3A_31 : vector<16xi32> to vector<16xi32>
    %shift_right_logical3A_33 = arith.constant 7 : i32
    %shift_right_logical3A_34 = vector.broadcast %shift_right_logical3A_33 : i32 to vector<16xi32>
    %shift_right_logical3A_35 = arith.shrui %get3A_32, %shift_right_logical3A_34 : vector<16xi32>
    %swap3A_36 = arith.constant 48 : index
    %swap3A_37 = tpu.vector_load %arg8[%swap3A_36] {strides = array<i32>} : memref<128xi32, #tpu.memory_space<vmem>>, vector<16xi32>,
    %swap3A_38 = vector.shape_cast %swap3A_37 : vector<16xi32> to vector<16xi32>
    %swap3A_39 = vector.shape_cast %shift_right_logical3A_35 : vector<16xi32> to vector<16xi32>
    tpu.vector_store %arg8[%swap3A_36], %swap3A_39 {strides = array<i32>} : memref<128xi32, #tpu.memory_space<vmem>>, vector<16xi32>,
    %get3A_40 = arith.constant 64 : index
    %get3A_41 = tpu.vector_load %arg7[%get3A_40] {strides = array<i32>} : memref<128xi32, #tpu.memory_space<vmem>>, vector<16xi32>,
    %get3A_42 = vector.shape_cast %get3A_41 : vector<16xi32> to vector<16xi32>
    %shift_right_logical3A_43 = arith.constant 7 : i32
    %shift_right_logical3A_44 = vector.broadcast %shift_right_logical3A_43 : i32 to vector<16xi32>
    %shift_right_logical3A_45 = arith.shrui %get3A_42, %shift_right_logical3A_44 : vector<16xi32>
    %swap3A_46 = arith.constant 64 : index
    %swap3A_47 = tpu.vector_load %arg8[%swap3A_46] {strides = array<i32>} : memref<128xi32, #tpu.memory_space<vmem>>, vector<16xi32>,
    %swap3A_48 = vector.shape_cast %swap3A_47 : vector<16xi32> to vector<16xi32>
    %swap3A_49 = vector.shape_cast %shift_right_logical3A_45 : vector<16xi32> to vector<16xi32>
    tpu.vector_store %arg8[%swap3A_46], %swap3A_49 {strides = array<i32>} : memref<128xi32, #tpu.memory_space<vmem>>, vector<16xi32>,
    %get3A_50 = arith.constant 80 : index
    %get3A_51 = tpu.vector_load %arg7[%get3A_50] {strides = array<i32>} : memref<128xi32, #tpu.memory_space<vmem>>, vector<16xi32>,
    %get3A_52 = vector.shape_cast %get3A_51 : vector<16xi32> to vector<16xi32>
    %shift_right_logical3A_53 = arith.constant 7 : i32
    %shift_right_logical3A_54 = vector.broadcast %shift_right_logical3A_53 : i32 to vector<16xi32>
    %shift_right_logical3A_55 = arith.shrui %get3A_52, %shift_right_logical3A_54 : vector<16xi32>
    %swap3A_56 = arith.constant 80 : index
    %swap3A_57 = tpu.vector_load %arg8[%swap3A_56] {strides = array<i32>} : memref<128xi32, #tpu.memory_space<vmem>>, vector<16xi32>,
    %swap3A_58 = vector.shape_cast %swap3A_57 : vector<16xi32> to vector<16xi32>
    %swap3A_59 = vector.shape_cast %shift_right_logical3A_55 : vector<16xi32> to vector<16xi32>
    tpu.vector_store %arg8[%swap3A_56], %swap3A_59 {strides = array<i32>} : memref<128xi32, #tpu.memory_space<vmem>>, vector<16xi32>,
    %get3A_60 = arith.constant 96 : index
    %get3A_61 = tpu.vector_load %arg7[%get3A_60] {strides = array<i32>} : memref<128xi32, #tpu.memory_space<vmem>>, vector<16xi32>,
    %get3A_62 = vector.shape_cast %get3A_61 : vector<16xi32> to vector<16xi32>
    %shift_right_logical3A_63 = arith.constant 7 : i32
    %shift_right_logical3A_64 = vector.broadcast %shift_right_logical3A_63 : i32 to vector<16xi32>
    %shift_right_logical3A_65 = arith.shrui %get3A_62, %shift_right_logical3A_64 : vector<16xi32>
    %swap3A_66 = arith.constant 96 : index
    %swap3A_67 = tpu.vector_load %arg8[%swap3A_66] {strides = array<i32>} : memref<128xi32, #tpu.memory_space<vmem>>, vector<16xi32>,
    %swap3A_68 = vector.shape_cast %swap3A_67 : vector<16xi32> to vector<16xi32>
    %swap3A_69 = vector.shape_cast %shift_right_logical3A_65 : vector<16xi32> to vector<16xi32>
    tpu.vector_store %arg8[%swap3A_66], %swap3A_69 {strides = array<i32>} : memref<128xi32, #tpu.memory_space<vmem>>, vector<16xi32>,
    %get3A_70 = arith.constant 112 : index
    %get3A_71 = tpu.vector_load %arg7[%get3A_70] {strides = array<i32>} : memref<128xi32, #tpu.memory_space<vmem>>, vector<16xi32>,
    %get3A_72 = vector.shape_cast %get3A_71 : vector<16xi32> to vector<16xi32>
    %shift_right_logical3A_73 = arith.constant 7 : i32
    %shift_right_logical3A_74 = vector.broadcast %shift_right_logical3A_73 : i32 to vector<16xi32>
    %shift_right_logical3A_75 = arith.shrui %get3A_72, %shift_right_logical3A_74 : vector<16xi32>
    %swap3A_76 = arith.constant 112 : index
    %swap3A_77 = tpu.vector_load %arg8[%swap3A_76] {strides = array<i32>} : memref<128xi32, #tpu.memory_space<vmem>>, vector<16xi32>,
    %swap3A_78 = vector.shape_cast %swap3A_77 : vector<16xi32> to vector<16xi32>
    %swap3A_79 = vector.shape_cast %shift_right_logical3A_75 : vector<16xi32> to vector<16xi32>
    tpu.vector_store %arg8[%swap3A_76], %swap3A_79 {strides = array<i32>} : memref<128xi32, #tpu.memory_space<vmem>>, vector<16xi32>,
    %dma_start3A = arith.constant 0 : i32
    %dma_start3A_80 = arith.constant 0 : i32
    %dma_start3A_81 = tpu.memref_slice %arg2[%dma_start3A, %dma_start3A_80] : memref<7813x128xf32, #tpu.memory_space<hbm>> -> memref<7813x128xf32, #tpu.memory_space<hbm>>
    tpu.enqueue_indirect_dma source(%dma_start3A_81 : memref<7813x128xf32, #tpu.memory_space<hbm>>) target(%arg9 : memref<128x128xf32, #tpu.memory_space<vmem>>) offsets(%arg8 : memref<128xi32, #tpu.memory_space<vmem>>) semaphore(%arg11 : memref<!tpu.dma_semaphore, #tpu.memory_space<semaphore_mem>>)
    %dma_start3A_82 = arith.constant 0 : i32
    %dma_start3A_83 = arith.constant 0 : i32
    %dma_start3A_84 = tpu.memref_slice %arg3[%dma_start3A_82, %dma_start3A_83] : memref<7813x128xf32, #tpu.memory_space<hbm>> -> memref<7813x128xf32, #tpu.memory_space<hbm>>
    tpu.enqueue_indirect_dma source(%dma_start3A_84 : memref<7813x128xf32, #tpu.memory_space<hbm>>) target(%arg10 : memref<128x128xf32, #tpu.memory_space<vmem>>) offsets(%arg8 : memref<128xi32, #tpu.memory_space<vmem>>) semaphore(%arg12 : memref<!tpu.dma_semaphore, #tpu.memory_space<semaphore_mem>>)
    %dma_wait3A = arith.constant 0 : i32
    %dma_wait3A_85 = arith.constant 0 : i32
    %dma_wait3A_86 = tpu.memref_slice %arg2[%dma_wait3A, %dma_wait3A_85] : memref<7813x128xf32, #tpu.memory_space<hbm>> -> memref<7813x128xf32, #tpu.memory_space<hbm>>
    tpu.wait_indirect_dma semaphore(%arg11 : memref<!tpu.dma_semaphore, #tpu.memory_space<semaphore_mem>>) src(%dma_wait3A_86 : memref<7813x128xf32, #tpu.memory_space<hbm>>) dst(%arg9 : memref<128x128xf32, #tpu.memory_space<vmem>>)
    %dma_wait3A_87 = arith.constant 0 : i32
    %dma_wait3A_88 = arith.constant 0 : i32
    %dma_wait3A_89 = tpu.memref_slice %arg3[%dma_wait3A_87, %dma_wait3A_88] : memref<7813x128xf32, #tpu.memory_space<hbm>> -> memref<7813x128xf32, #tpu.memory_space<hbm>>
    tpu.wait_indirect_dma semaphore(%arg12 : memref<!tpu.dma_semaphore, #tpu.memory_space<semaphore_mem>>) src(%dma_wait3A_89 : memref<7813x128xf32, #tpu.memory_space<hbm>>) dst(%arg10 : memref<128x128xf32, #tpu.memory_space<vmem>>)
    "tpu.region"() ({
      %run_scoped3A = tpu.sem_alloc : memref<!tpu.dma_semaphore, #tpu.memory_space<semaphore_mem>>
      %dma_start3A_90 = arith.constant 0 : i32
      %dma_start3A_91 = tpu.memref_slice %arg5[%mul3A_2, %dma_start3A_90] : memref<4096x128xf32, #tpu.memory_space<hbm>> -> memref<128x128xf32, #tpu.memory_space<hbm>>
      %dma_start3A_92 = arith.constant 0 : i32
      %dma_start3A_93 = tpu.memref_slice %arg5[%mul3A_2, %dma_start3A_92] : memref<4096x128xf32, #tpu.memory_space<hbm>> -> memref<128x128xf32, #tpu.memory_space<hbm>>
      tpu.enqueue_dma source(%arg9 : memref<128x128xf32, #tpu.memory_space<vmem>>) target(%dma_start3A_93 : memref<128x128xf32, #tpu.memory_space<hbm>>) target_semaphore(%run_scoped3A : memref<!tpu.dma_semaphore, #tpu.memory_space<semaphore_mem>>)
      %dma_wait3A_94 = arith.constant 0 : i32
      %dma_wait3A_95 = tpu.memref_slice %arg5[%mul3A_2, %dma_wait3A_94] : memref<4096x128xf32, #tpu.memory_space<hbm>> -> memref<128x128xf32, #tpu.memory_space<hbm>>
      %dma_wait3A_96 = arith.constant 0 : i32
      %dma_wait3A_97 = tpu.memref_slice %arg5[%mul3A_2, %dma_wait3A_96] : memref<4096x128xf32, #tpu.memory_space<hbm>> -> memref<128x128xf32, #tpu.memory_space<hbm>>
      tpu.wait_dma2 semaphore(%run_scoped3A : memref<!tpu.dma_semaphore, #tpu.memory_space<semaphore_mem>>) src(%arg9 : memref<128x128xf32, #tpu.memory_space<vmem>>) dst(%dma_wait3A_97 : memref<128x128xf32, #tpu.memory_space<hbm>>)
      tpu.yield
    }) : () -> ()
    "tpu.region"() ({
      %run_scoped3A = tpu.sem_alloc : memref<!tpu.dma_semaphore, #tpu.memory_space<semaphore_mem>>
      %dma_start3A_90 = arith.constant 0 : i32
      %dma_start3A_91 = tpu.memref_slice %arg6[%mul3A_2, %dma_start3A_90] : memref<4096x128xf32, #tpu.memory_space<hbm>> -> memref<128x128xf32, #tpu.memory_space<hbm>>
      %dma_start3A_92 = arith.constant 0 : i32
      %dma_start3A_93 = tpu.memref_slice %arg6[%mul3A_2, %dma_start3A_92] : memref<4096x128xf32, #tpu.memory_space<hbm>> -> memref<128x128xf32, #tpu.memory_space<hbm>>
      tpu.enqueue_dma source(%arg10 : memref<128x128xf32, #tpu.memory_space<vmem>>) target(%dma_start3A_93 : memref<128x128xf32, #tpu.memory_space<hbm>>) target_semaphore(%run_scoped3A : memref<!tpu.dma_semaphore, #tpu.memory_space<semaphore_mem>>)
      %dma_wait3A_94 = arith.constant 0 : i32
      %dma_wait3A_95 = tpu.memref_slice %arg6[%mul3A_2, %dma_wait3A_94] : memref<4096x128xf32, #tpu.memory_space<hbm>> -> memref<128x128xf32, #tpu.memory_space<hbm>>
      %dma_wait3A_96 = arith.constant 0 : i32
      %dma_wait3A_97 = tpu.memref_slice %arg6[%mul3A_2, %dma_wait3A_96] : memref<4096x128xf32, #tpu.memory_space<hbm>> -> memref<128x128xf32, #tpu.memory_space<hbm>>
      tpu.wait_dma2 semaphore(%run_scoped3A : memref<!tpu.dma_semaphore, #tpu.memory_space<semaphore_mem>>) src(%arg10 : memref<128x128xf32, #tpu.memory_space<vmem>>) dst(%dma_wait3A_97 : memref<128x128xf32, #tpu.memory_space<hbm>>)
      tpu.yield
    }) : () -> ()
    return
  }
}

module attributes {stable_mosaic.version = 14 : i64} {
  func.func @_dup_body(%arg0: memref<4096x1xf32, #tpu.memory_space<vmem>>, %arg1: memref<4096x1xi32, #tpu.memory_space<vmem>>, %arg2: memref<4096x1xf32, #tpu.memory_space<vmem>>, %arg3: memref<1x4096xi32, #tpu.memory_space<vmem>>, %arg4: memref<1x4096xf32, #tpu.memory_space<vmem>>) attributes {dimension_semantics = [], scalar_prefetch = 0 : i64, scratch_operands = 0 : i64, tpu.core_type = #tpu.core_type<tc>} {
    %get3A = arith.constant 0 : index
    %get3A_0 = arith.constant 0 : index
    %get3A_1 = vector.load %arg0[%get3A, %get3A_0] : memref<4096x1xf32, #tpu.memory_space<vmem>>, vector<4096x1xf32>
    %get3A_2 = arith.constant 0 : index
    %get3A_3 = arith.constant 0 : index
    %get3A_4 = vector.load %arg1[%get3A_2, %get3A_3] : memref<4096x1xi32, #tpu.memory_space<vmem>>, vector<4096x1xi32>
    %get3A_5 = arith.constant 0 : index
    %get3A_6 = arith.constant 0 : index
    %get3A_7 = vector.load %arg2[%get3A_5, %get3A_6] : memref<4096x1xf32, #tpu.memory_space<vmem>>, vector<4096x1xf32>
    %gt3A = arith.constant 0.000000e+00 : f32
    %gt3A_8 = vector.broadcast %gt3A : f32 to vector<4096x1xf32>
    %gt3A_9 = arith.cmpf ogt, %get3A_7, %gt3A_8 : vector<4096x1xf32>
    %iota3A = tpu.iota {dimensions = array<i32: 0>} : vector<4096x512xi32>
    %scan3A = arith.constant 0 : i32
    %scan3A_10 = arith.constant 8 : i32
    %scan3A_11 = arith.addi %scan3A, %scan3A_10 : i32
    %scan3A_12 = arith.constant 1 : i32
    scf.for %scan3A_14 = %scan3A to %scan3A_11 step %scan3A_12  : i32 {
      %mul3A = arith.constant 512 : i32
      %mul3A_15 = arith.muli %scan3A_14, %mul3A : i32
      %get3A_16 = arith.constant 0 : index
      %get3A_17 = arith.index_cast %mul3A_15 : i32 to index
      %get3A_18 = vector.load %arg3[%get3A_16, %get3A_17] : memref<1x4096xi32, #tpu.memory_space<vmem>>, vector<1x512xi32>
      %eq3A = vector.broadcast %get3A_18 : vector<1x512xi32> to vector<4096x512xi32>
      %eq3A_19 = vector.broadcast %get3A_4 : vector<4096x1xi32> to vector<4096x512xi32>
      %eq3A_20 = arith.cmpi eq, %eq3A, %eq3A_19 : vector<4096x512xi32>
      %and3A = vector.broadcast %gt3A_9 : vector<4096x1xi1> to vector<4096x512xi1>
      %and3A_21 = arith.andi %eq3A_20, %and3A : vector<4096x512xi1>
      %jit3A = arith.constant -1 : i32
      %broadcast_in_dim3A = vector.broadcast %jit3A : i32 to vector<4096x512xi32>
      %select_n3A = arith.select %and3A_21, %iota3A, %broadcast_in_dim3A : vector<4096x512xi1>, vector<4096x512xi32>
      %reduce_max3A = arith.constant dense<-2147483648> : vector<512xi32>
      %reduce_max3A_22 = vector.multi_reduction <maxsi>, %select_n3A, %reduce_max3A [0] : vector<4096x512xi32> to vector<512xi32>
      %broadcast_in_dim3A_23 = vector.shape_cast %reduce_max3A_22 : vector<512xi32> to vector<1x512xi32>
      %eq3A_24 = vector.broadcast %broadcast_in_dim3A_23 : vector<1x512xi32> to vector<4096x512xi32>
      %eq3A_25 = arith.cmpi eq, %iota3A, %eq3A_24 : vector<4096x512xi32>
      %jit3A_26 = arith.constant 0.000000e+00 : f32
      %broadcast_in_dim3A_27 = vector.shape_cast %get3A_1 : vector<4096x1xf32> to vector<4096x1xf32>
      %broadcast_in_dim3A_28 = vector.broadcast %broadcast_in_dim3A_27 : vector<4096x1xf32> to vector<4096x512xf32>
      %broadcast_in_dim3A_29 = vector.broadcast %jit3A_26 : f32 to vector<4096x512xf32>
      %select_n3A_30 = arith.select %eq3A_25, %broadcast_in_dim3A_28, %broadcast_in_dim3A_29 : vector<4096x512xi1>, vector<4096x512xf32>
      %reduce_sum3A = arith.constant dense<0.000000e+00> : vector<512xf32>
      %reduce_sum3A_31 = vector.multi_reduction <add>, %select_n3A_30, %reduce_sum3A [0] : vector<4096x512xf32> to vector<512xf32>
      %broadcast_in_dim3A_32 = vector.shape_cast %reduce_sum3A_31 : vector<512xf32> to vector<1x512xf32>
      %swap3A = arith.constant 0 : index
      %swap3A_33 = arith.index_cast %mul3A_15 : i32 to index
      %swap3A_34 = vector.load %arg4[%swap3A, %swap3A_33] : memref<1x4096xf32, #tpu.memory_space<vmem>>, vector<1x512xf32>
      tpu.vector_store %arg4[%swap3A, %swap3A_33], %broadcast_in_dim3A_32 {strides = array<i32>} : memref<1x4096xf32, #tpu.memory_space<vmem>>, vector<1x512xf32>,
    }
    %scan3A_13 = arith.constant 8 : i32
    return
  }
}

module attributes {stable_mosaic.version = 14 : i64} {
  func.func @_loss_body(%arg0: memref<1x4096xf32, #tpu.memory_space<vmem>>, %arg1: memref<1x4096xf32, #tpu.memory_space<vmem>>, %arg2: memref<1x4096xf32, #tpu.memory_space<vmem>>, %arg3: memref<4096x1xi32, #tpu.memory_space<vmem>>, %arg4: memref<1x4096xf32, #tpu.memory_space<vmem>>, %arg5: memref<4096x128xf32, #tpu.memory_space<vmem>>, %arg6: memref<4096x128xf32, #tpu.memory_space<vmem>>, %arg7: memref<1x1xf32, #tpu.memory_space<vmem>>) attributes {dimension_semantics = [], scalar_prefetch = 0 : i64, scratch_operands = 0 : i64, tpu.core_type = #tpu.core_type<tc>} {
    %get3A = arith.constant 0 : index
    %get3A_0 = arith.constant 0 : index
    %get3A_1 = vector.load %arg0[%get3A, %get3A_0] : memref<1x4096xf32, #tpu.memory_space<vmem>>, vector<1x4096xf32>
    %get3A_2 = arith.constant 0 : index
    %get3A_3 = arith.constant 0 : index
    %get3A_4 = vector.load %arg1[%get3A_2, %get3A_3] : memref<1x4096xf32, #tpu.memory_space<vmem>>, vector<1x4096xf32>
    %reduce_sum3A = vector.shape_cast %get3A_4 : vector<1x4096xf32> to vector<1x1x4096xf32>
    %reduce_sum3A_5 = arith.constant dense<0.000000e+00> : vector<1xf32>
    %reduce_sum3A_6 = vector.multi_reduction <add>, %reduce_sum3A, %reduce_sum3A_5 [1, 2] : vector<1x1x4096xf32> to vector<1xf32>
    %reduce_sum3A_7 = vector.shape_cast %reduce_sum3A_6 : vector<1xf32> to vector<1x1x1xf32>
    %reduce_sum3A_8 = vector.extract %reduce_sum3A_7[0, 0, 0] : f32 from vector<1x1x1xf32>
    %reduce_sum3A_9 = vector.shape_cast %get3A_1 : vector<1x4096xf32> to vector<1x1x4096xf32>
    %reduce_sum3A_10 = arith.constant dense<0.000000e+00> : vector<1xf32>
    %reduce_sum3A_11 = vector.multi_reduction <add>, %reduce_sum3A_9, %reduce_sum3A_10 [1, 2] : vector<1x1x4096xf32> to vector<1xf32>
    %reduce_sum3A_12 = vector.shape_cast %reduce_sum3A_11 : vector<1xf32> to vector<1x1x1xf32>
    %reduce_sum3A_13 = vector.extract %reduce_sum3A_12[0, 0, 0] : f32 from vector<1x1x1xf32>
    %mul3A = arith.mulf %get3A_1, %get3A_1 : vector<1x4096xf32>
    %reduce_sum3A_14 = vector.shape_cast %mul3A : vector<1x4096xf32> to vector<1x1x4096xf32>
    %reduce_sum3A_15 = arith.constant dense<0.000000e+00> : vector<1xf32>
    %reduce_sum3A_16 = vector.multi_reduction <add>, %reduce_sum3A_14, %reduce_sum3A_15 [1, 2] : vector<1x1x4096xf32> to vector<1xf32>
    %reduce_sum3A_17 = vector.shape_cast %reduce_sum3A_16 : vector<1xf32> to vector<1x1x1xf32>
    %reduce_sum3A_18 = vector.extract %reduce_sum3A_17[0, 0, 0] : f32 from vector<1x1x1xf32>
    %mul3A_19 = arith.mulf %get3A_4, %get3A_1 : vector<1x4096xf32>
    %reduce_sum3A_20 = vector.shape_cast %mul3A_19 : vector<1x4096xf32> to vector<1x1x4096xf32>
    %reduce_sum3A_21 = arith.constant dense<0.000000e+00> : vector<1xf32>
    %reduce_sum3A_22 = vector.multi_reduction <add>, %reduce_sum3A_20, %reduce_sum3A_21 [1, 2] : vector<1x1x4096xf32> to vector<1xf32>
    %reduce_sum3A_23 = vector.shape_cast %reduce_sum3A_22 : vector<1xf32> to vector<1x1x1xf32>
    %reduce_sum3A_24 = vector.extract %reduce_sum3A_23[0, 0, 0] : f32 from vector<1x1x1xf32>
    %mul3A_25 = arith.mulf %get3A_4, %get3A_1 : vector<1x4096xf32>
    %mul3A_26 = arith.mulf %mul3A_25, %get3A_1 : vector<1x4096xf32>
    %reduce_sum3A_27 = vector.shape_cast %mul3A_26 : vector<1x4096xf32> to vector<1x1x4096xf32>
    %reduce_sum3A_28 = arith.constant dense<0.000000e+00> : vector<1xf32>
    %reduce_sum3A_29 = vector.multi_reduction <add>, %reduce_sum3A_27, %reduce_sum3A_28 [1, 2] : vector<1x1x4096xf32> to vector<1xf32>
    %reduce_sum3A_30 = vector.shape_cast %reduce_sum3A_29 : vector<1xf32> to vector<1x1x1xf32>
    %reduce_sum3A_31 = vector.extract %reduce_sum3A_30[0, 0, 0] : f32 from vector<1x1x1xf32>
    %sub3A = arith.constant 1.000000e+00 : f32
    %sub3A_32 = vector.broadcast %sub3A : f32 to vector<1x4096xf32>
    %sub3A_33 = arith.subf %sub3A_32, %get3A_1 : vector<1x4096xf32>
    %mul3A_34 = arith.constant 4.096000e+03 : f32
    %mul3A_35 = vector.broadcast %mul3A_34 : f32 to vector<1x4096xf32>
    %mul3A_36 = arith.mulf %mul3A_35, %sub3A_33 : vector<1x4096xf32>
    %mul3A_37 = arith.mulf %mul3A_36, %sub3A_33 : vector<1x4096xf32>
    %mul3A_38 = arith.constant 2.000000e+00 : f32
    %mul3A_39 = vector.broadcast %mul3A_38 : f32 to vector<1x4096xf32>
    %mul3A_40 = arith.mulf %mul3A_39, %sub3A_33 : vector<1x4096xf32>
    %mul3A_41 = vector.broadcast %reduce_sum3A_13 : f32 to vector<1x4096xf32>
    %mul3A_42 = arith.mulf %mul3A_40, %mul3A_41 : vector<1x4096xf32>
    %add3A = arith.addf %mul3A_37, %mul3A_42 : vector<1x4096xf32>
    %add3A_43 = vector.broadcast %reduce_sum3A_18 : f32 to vector<1x4096xf32>
    %add3A_44 = arith.addf %add3A, %add3A_43 : vector<1x4096xf32>
    %mul3A_45 = vector.broadcast %reduce_sum3A_8 : f32 to vector<1x4096xf32>
    %mul3A_46 = arith.mulf %mul3A_45, %sub3A_33 : vector<1x4096xf32>
    %mul3A_47 = arith.mulf %mul3A_46, %sub3A_33 : vector<1x4096xf32>
    %mul3A_48 = arith.constant 2.000000e+00 : f32
    %mul3A_49 = vector.broadcast %mul3A_48 : f32 to vector<1x4096xf32>
    %mul3A_50 = arith.mulf %mul3A_49, %sub3A_33 : vector<1x4096xf32>
    %mul3A_51 = vector.broadcast %reduce_sum3A_24 : f32 to vector<1x4096xf32>
    %mul3A_52 = arith.mulf %mul3A_50, %mul3A_51 : vector<1x4096xf32>
    %add3A_53 = arith.addf %mul3A_47, %mul3A_52 : vector<1x4096xf32>
    %add3A_54 = vector.broadcast %reduce_sum3A_31 : f32 to vector<1x4096xf32>
    %add3A_55 = arith.addf %add3A_53, %add3A_54 : vector<1x4096xf32>
    %get3A_56 = arith.constant 0 : index
    %get3A_57 = arith.constant 0 : index
    %get3A_58 = vector.load %arg4[%get3A_56, %get3A_57] : memref<1x4096xf32, #tpu.memory_space<vmem>>, vector<1x4096xf32>
    %sub3A_59 = arith.constant 1.000000e+00 : f32
    %sub3A_60 = vector.broadcast %sub3A_59 : f32 to vector<1x4096xf32>
    %sub3A_61 = arith.subf %sub3A_60, %get3A_58 : vector<1x4096xf32>
    %mul3A_62 = arith.constant 4.096000e+03 : f32
    %mul3A_63 = vector.broadcast %mul3A_62 : f32 to vector<1x4096xf32>
    %mul3A_64 = arith.mulf %mul3A_63, %sub3A_61 : vector<1x4096xf32>
    %mul3A_65 = arith.mulf %mul3A_64, %sub3A_61 : vector<1x4096xf32>
    %mul3A_66 = arith.constant 2.000000e+00 : f32
    %mul3A_67 = vector.broadcast %mul3A_66 : f32 to vector<1x4096xf32>
    %mul3A_68 = arith.mulf %mul3A_67, %sub3A_61 : vector<1x4096xf32>
    %mul3A_69 = vector.broadcast %reduce_sum3A_13 : f32 to vector<1x4096xf32>
    %mul3A_70 = arith.mulf %mul3A_68, %mul3A_69 : vector<1x4096xf32>
    %add3A_71 = arith.addf %mul3A_65, %mul3A_70 : vector<1x4096xf32>
    %add3A_72 = vector.broadcast %reduce_sum3A_18 : f32 to vector<1x4096xf32>
    %add3A_73 = arith.addf %add3A_71, %add3A_72 : vector<1x4096xf32>
    %mul3A_74 = vector.broadcast %reduce_sum3A_8 : f32 to vector<1x4096xf32>
    %mul3A_75 = arith.mulf %mul3A_74, %sub3A_61 : vector<1x4096xf32>
    %mul3A_76 = arith.mulf %mul3A_75, %sub3A_61 : vector<1x4096xf32>
    %mul3A_77 = arith.constant 2.000000e+00 : f32
    %mul3A_78 = vector.broadcast %mul3A_77 : f32 to vector<1x4096xf32>
    %mul3A_79 = arith.mulf %mul3A_78, %sub3A_61 : vector<1x4096xf32>
    %mul3A_80 = vector.broadcast %reduce_sum3A_24 : f32 to vector<1x4096xf32>
    %mul3A_81 = arith.mulf %mul3A_79, %mul3A_80 : vector<1x4096xf32>
    %add3A_82 = arith.addf %mul3A_76, %mul3A_81 : vector<1x4096xf32>
    %add3A_83 = vector.broadcast %reduce_sum3A_31 : f32 to vector<1x4096xf32>
    %add3A_84 = arith.addf %add3A_82, %add3A_83 : vector<1x4096xf32>
    %get3A_85 = arith.constant 0 : index
    %get3A_86 = arith.constant 0 : index
    %get3A_87 = vector.load %arg3[%get3A_85, %get3A_86] : memref<4096x1xi32, #tpu.memory_space<vmem>>, vector<4096x1xi32>
    %and3A = arith.constant 127 : i32
    %and3A_88 = vector.broadcast %and3A : i32 to vector<4096x1xi32>
    %and3A_89 = arith.andi %get3A_87, %and3A_88 : vector<4096x1xi32>
    %iota3A = tpu.iota {dimensions = array<i32: 1>} : vector<4096x128xi32>
    %eq3A = vector.broadcast %and3A_89 : vector<4096x1xi32> to vector<4096x128xi32>
    %eq3A_90 = arith.cmpi eq, %iota3A, %eq3A : vector<4096x128xi32>
    %get3A_91 = arith.constant 0 : index
    %get3A_92 = arith.constant 0 : index
    %get3A_93 = vector.load %arg5[%get3A_91, %get3A_92] : memref<4096x128xf32, #tpu.memory_space<vmem>>, vector<4096x128xf32>
    %jit3A = arith.constant 0.000000e+00 : f32
    %broadcast_in_dim3A = vector.broadcast %jit3A : f32 to vector<4096x128xf32>
    %select_n3A = arith.select %eq3A_90, %get3A_93, %broadcast_in_dim3A : vector<4096x128xi1>, vector<4096x128xf32>
    %reduce_sum3A_94 = arith.constant dense<0.000000e+00> : vector<4096xf32>
    %reduce_sum3A_95 = vector.multi_reduction <add>, %select_n3A, %reduce_sum3A_94 [1] : vector<4096x128xf32> to vector<4096xf32>
    %broadcast_in_dim3A_96 = vector.shape_cast %reduce_sum3A_95 : vector<4096xf32> to vector<4096x1xf32>
    %get3A_97 = arith.constant 0 : index
    %get3A_98 = arith.constant 0 : index
    %get3A_99 = vector.load %arg6[%get3A_97, %get3A_98] : memref<4096x128xf32, #tpu.memory_space<vmem>>, vector<4096x128xf32>
    %jit3A_100 = arith.constant 0.000000e+00 : f32
    %broadcast_in_dim3A_101 = vector.broadcast %jit3A_100 : f32 to vector<4096x128xf32>
    %select_n3A_102 = arith.select %eq3A_90, %get3A_99, %broadcast_in_dim3A_101 : vector<4096x128xi1>, vector<4096x128xf32>
    %reduce_sum3A_103 = arith.constant dense<0.000000e+00> : vector<4096xf32>
    %reduce_sum3A_104 = vector.multi_reduction <add>, %select_n3A_102, %reduce_sum3A_103 [1] : vector<4096x128xf32> to vector<4096xf32>
    %broadcast_in_dim3A_105 = vector.shape_cast %reduce_sum3A_104 : vector<4096xf32> to vector<4096x1xf32>
    %reshape3A = vector.shape_cast %broadcast_in_dim3A_96 : vector<4096x1xf32> to vector<1x4096xf32>
    %reshape3A_106 = vector.shape_cast %broadcast_in_dim3A_105 : vector<4096x1xf32> to vector<1x4096xf32>
    %mul3A_107 = arith.constant 1.000000e-01 : f32
    %mul3A_108 = vector.broadcast %mul3A_107 : f32 to vector<1x4096xf32>
    %mul3A_109 = arith.mulf %mul3A_108, %reshape3A : vector<1x4096xf32>
    %mul3A_110 = arith.constant 0.899999976 : f32
    %mul3A_111 = vector.broadcast %mul3A_110 : f32 to vector<1x4096xf32>
    %mul3A_112 = arith.mulf %mul3A_111, %add3A_73 : vector<1x4096xf32>
    %mul3A_113 = arith.constant 2.44140625E-4 : f32
    %mul3A_114 = vector.broadcast %mul3A_113 : f32 to vector<1x4096xf32>
    %mul3A_115 = arith.mulf %mul3A_112, %mul3A_114 : vector<1x4096xf32>
    %add3A_116 = arith.addf %mul3A_109, %mul3A_115 : vector<1x4096xf32>
    %mul3A_117 = arith.constant 1.000000e-01 : f32
    %mul3A_118 = vector.broadcast %mul3A_117 : f32 to vector<1x4096xf32>
    %mul3A_119 = arith.mulf %mul3A_118, %reshape3A_106 : vector<1x4096xf32>
    %mul3A_120 = arith.constant 0.899999976 : f32
    %mul3A_121 = vector.broadcast %mul3A_120 : f32 to vector<1x4096xf32>
    %mul3A_122 = arith.mulf %mul3A_121, %add3A_84 : vector<1x4096xf32>
    %mul3A_123 = arith.constant 2.44140625E-4 : f32
    %mul3A_124 = vector.broadcast %mul3A_123 : f32 to vector<1x4096xf32>
    %mul3A_125 = arith.mulf %mul3A_122, %mul3A_124 : vector<1x4096xf32>
    %add3A_126 = arith.addf %mul3A_119, %mul3A_125 : vector<1x4096xf32>
    %gt3A = arith.constant 0.000000e+00 : f32
    %gt3A_127 = vector.broadcast %gt3A : f32 to vector<1x4096xf32>
    %gt3A_128 = arith.cmpf ogt, %get3A_4, %gt3A_127 : vector<1x4096xf32>
    %mul3A_129 = arith.mulf %add3A_116, %add3A_116 : vector<1x4096xf32>
    %jit3A_130 = arith.constant 1.000000e+00 : f32
    %broadcast_in_dim3A_131 = vector.broadcast %jit3A_130 : f32 to vector<1x4096xf32>
    %select_n3A_132 = arith.select %gt3A_128, %mul3A_129, %broadcast_in_dim3A_131 : vector<1x4096xi1>, vector<1x4096xf32>
    %mul3A_133 = arith.mulf %add3A_126, %add3A_44 : vector<1x4096xf32>
    %mul3A_134 = arith.mulf %add3A_116, %add3A_55 : vector<1x4096xf32>
    %sub3A_135 = arith.subf %mul3A_133, %mul3A_134 : vector<1x4096xf32>
    %mul3A_136 = arith.mulf %get3A_4, %sub3A_135 : vector<1x4096xf32>
    %div3A = arith.divf %mul3A_136, %select_n3A_132 : vector<1x4096xf32>
    %reduce_sum3A_137 = vector.shape_cast %div3A : vector<1x4096xf32> to vector<1x1x4096xf32>
    %reduce_sum3A_138 = arith.constant dense<0.000000e+00> : vector<1xf32>
    %reduce_sum3A_139 = vector.multi_reduction <add>, %reduce_sum3A_137, %reduce_sum3A_138 [1, 2] : vector<1x1x4096xf32> to vector<1xf32>
    %reduce_sum3A_140 = vector.shape_cast %reduce_sum3A_139 : vector<1xf32> to vector<1x1x1xf32>
    %reduce_sum3A_141 = vector.extract %reduce_sum3A_140[0, 0, 0] : f32 from vector<1x1x1xf32>
    %mul3A_142 = arith.constant 4.096000e+03 : f32
    %mul3A_143 = arith.mulf %reduce_sum3A_8, %mul3A_142 : f32
    %div3A_144 = arith.divf %reduce_sum3A_141, %mul3A_143 : f32
    %get3A_145 = arith.constant 0 : index
    %get3A_146 = arith.constant 0 : index
    %get3A_147 = vector.load %arg2[%get3A_145, %get3A_146] : memref<1x4096xf32, #tpu.memory_space<vmem>>, vector<1x4096xf32>
    %sub3A_148 = arith.constant 1.000000e+00 : f32
    %sub3A_149 = vector.broadcast %sub3A_148 : f32 to vector<1x4096xf32>
    %sub3A_150 = arith.subf %sub3A_149, %get3A_1 : vector<1x4096xf32>
    %gt3A_151 = arith.constant 0.000000e+00 : f32
    %gt3A_152 = vector.broadcast %gt3A_151 : f32 to vector<1x4096xf32>
    %gt3A_153 = arith.cmpf ogt, %get3A_1, %gt3A_152 : vector<1x4096xf32>
    %max3A = arith.constant 9.99999996E-13 : f32
    %max3A_154 = vector.broadcast %max3A : f32 to vector<1x4096xf32>
    %max3A_155 = arith.maximumf %get3A_1, %max3A_154 : vector<1x4096xf32>
    %log3A = math.log %max3A_155 : vector<1x4096xf32>
    %mul3A_156 = arith.mulf %get3A_1, %log3A : vector<1x4096xf32>
    %jit3A_157 = arith.constant 0.000000e+00 : f32
    %broadcast_in_dim3A_158 = vector.broadcast %jit3A_157 : f32 to vector<1x4096xf32>
    %select_n3A_159 = arith.select %gt3A_153, %mul3A_156, %broadcast_in_dim3A_158 : vector<1x4096xi1>, vector<1x4096xf32>
    %add3A_160 = arith.constant 9.99999996E-13 : f32
    %add3A_161 = vector.broadcast %add3A_160 : f32 to vector<1x4096xf32>
    %add3A_162 = arith.addf %get3A_147, %add3A_161 : vector<1x4096xf32>
    %log3A_163 = math.log %add3A_162 : vector<1x4096xf32>
    %mul3A_164 = arith.mulf %get3A_1, %log3A_163 : vector<1x4096xf32>
    %sub3A_165 = arith.subf %select_n3A_159, %mul3A_164 : vector<1x4096xf32>
    %gt3A_166 = arith.constant 0.000000e+00 : f32
    %gt3A_167 = vector.broadcast %gt3A_166 : f32 to vector<1x4096xf32>
    %gt3A_168 = arith.cmpf ogt, %sub3A_150, %gt3A_167 : vector<1x4096xf32>
    %max3A_169 = arith.constant 9.99999996E-13 : f32
    %max3A_170 = vector.broadcast %max3A_169 : f32 to vector<1x4096xf32>
    %max3A_171 = arith.maximumf %sub3A_150, %max3A_170 : vector<1x4096xf32>
    %log3A_172 = math.log %max3A_171 : vector<1x4096xf32>
    %mul3A_173 = arith.mulf %sub3A_150, %log3A_172 : vector<1x4096xf32>
    %jit3A_174 = arith.constant 0.000000e+00 : f32
    %broadcast_in_dim3A_175 = vector.broadcast %jit3A_174 : f32 to vector<1x4096xf32>
    %select_n3A_176 = arith.select %gt3A_168, %mul3A_173, %broadcast_in_dim3A_175 : vector<1x4096xi1>, vector<1x4096xf32>
    %sub3A_177 = arith.constant 1.000000e+00 : f32
    %sub3A_178 = vector.broadcast %sub3A_177 : f32 to vector<1x4096xf32>
    %sub3A_179 = arith.subf %sub3A_178, %get3A_147 : vector<1x4096xf32>
    %add3A_180 = arith.constant 9.99999996E-13 : f32
    %add3A_181 = vector.broadcast %add3A_180 : f32 to vector<1x4096xf32>
    %add3A_182 = arith.addf %sub3A_179, %add3A_181 : vector<1x4096xf32>
    %log3A_183 = math.log %add3A_182 : vector<1x4096xf32>
    %mul3A_184 = arith.mulf %sub3A_150, %log3A_183 : vector<1x4096xf32>
    %sub3A_185 = arith.subf %select_n3A_176, %mul3A_184 : vector<1x4096xf32>
    %add3A_186 = arith.addf %sub3A_165, %sub3A_185 : vector<1x4096xf32>
    %reduce_sum3A_187 = vector.shape_cast %add3A_186 : vector<1x4096xf32> to vector<1x1x4096xf32>
    %reduce_sum3A_188 = arith.constant dense<0.000000e+00> : vector<1xf32>
    %reduce_sum3A_189 = vector.multi_reduction <add>, %reduce_sum3A_187, %reduce_sum3A_188 [1, 2] : vector<1x1x4096xf32> to vector<1xf32>
    %reduce_sum3A_190 = vector.shape_cast %reduce_sum3A_189 : vector<1xf32> to vector<1x1x1xf32>
    %reduce_sum3A_191 = vector.extract %reduce_sum3A_190[0, 0, 0] : f32 from vector<1x1x1xf32>
    %mul3A_192 = arith.constant 2.44140625E-4 : f32
    %mul3A_193 = arith.mulf %reduce_sum3A_191, %mul3A_192 : f32
    %mul3A_194 = arith.constant 1.000000e+00 : f32
    %mul3A_195 = arith.mulf %mul3A_194, %mul3A_193 : f32
    %add3A_196 = arith.addf %div3A_144, %mul3A_195 : f32
    %reshape3A_197 = vector.broadcast %add3A_196 : f32 to vector<1x1xf32>
    %swap3A = arith.constant 0 : index
    %swap3A_198 = arith.constant 0 : index
    %swap3A_199 = vector.load %arg7[%swap3A, %swap3A_198] : memref<1x1xf32, #tpu.memory_space<vmem>>, vector<1x1xf32>
    tpu.vector_store %arg7[%swap3A, %swap3A_198], %reshape3A_197 {strides = array<i32>} : memref<1x1xf32, #tpu.memory_space<vmem>>, vector<1x1xf32>,
    return
  }
}

</mosaic_0001>

<sc_bundles>
// kernel: kernel.5.cloned.1.call-start
scs
__scs_entry_jumppad:
0x0: {  	(pc) =	sbr.rel $0x88, $3  }
0x1: {  	(tag) =	ssettag $0x0;
	lr =	simm.s32 $0x1  }
0x2: {  	[smem:$0x3F9B] =	sst lr;
	_ =	strace $0xD0000000  }
0x3: {  	_ = 	snop  }
0x4: {  	_ = 	snop  }
0x5: {  	_ = 	snop  }
0x6: {  	_ = 	snop  }
0x7: {  	_ = 	snop  }
__scs_overlays_trampoline_lowered:
0x8: {  	[smem:$0x3FAA] =	sst s0  }
0x9: {  	[smem:$0x3FAB] =	sst s1  }
0xa: {  	[smem:$0x3FAC] =	sst s2  }
0xb: {  	[smem:$0x3FAD] =	sst s3  }
0xc: {  	[smem:$0x3FAE] =	sst s4  }
0xd: {  	[smem:$0x3FAF] =	sst s5  }
0xe: {  	[smem:$0x3FB0] =	sst s6  }
0xf: {  	[smem:$0x3FB1] =	sst s7  }
0x10: {  	[smem:$0x3FB2] =	sst s8  }
0x11: {  	[smem:$0x3FB3] =	sst s9;
	s0 =	simm.s32 @!p0 $0x0  }
0x12: {  	s1 =	sld [smem:$0x3F99];
	s0 =	simm.s32 @p0 $0x1  }
0x13: {  	[smem:$0x3FB4] =	sst s0;
	s0 =	simm.s32 @!p1 $0x0  }
0x14: {  	s2 =	sld [smem:$0x3F98];
	s0 =	simm.s32 @p1 $0x1  }
0x15: {  	[smem:$0x3FB5] =	sst s0;
	s0 =	simm.s32 @!p2 $0x0  }
0x16: {  	s3 =	sld [smem:$0x3FDB];
	s0 =	simm.s32 @p2 $0x1  }
0x17: {  	s4 =	simm.s32 $0x1BF5;
	[smem:$0x3FB7] =	sst s0  }
0x18: {  	s0 =	sld [smem:$0x3F9A];
	_ =	swait.ge [sflag:s4], $0x0  }
0x19: {  	s7 =	sld [smem:$0x3F9B]  }
0x1a: {  	s8 =	sadd.s32 $0xFFFFE003, lr  }
0x1b: {  	s9 =	sadd.s32 $0xFFFFFEF7, lr;
	s5 =	simm.s32 $0xFFFFFFFF;
	p2 =	slt.u32 s8, $0xFFFFF086  }
0x1c: {  	p1 =	slt.u32 s9, $0xF7A;
	s5 =	simm.s32 @!p2 $0x0  }
0x1d: {  	s5 =	simm.s32 @p1 $0x1;
	p0 =	seq.s32 s7, s2  }
0x1e: {  	s7 =	smul.u32 @!p0 $0xF7A, s2;
	p2 =	seq.s32 @!p0 s5, $0x0  }
0x1f: {  	s9 =	smul.u32 $0xF7A, s1;
	s8 =	simm.s32 @!p0 $0x1BF5;
	p2 =	por !p2, p0  }
0x20: {  	[sflag:s8] =	ssyncset.s32 @!p0 $0xFFFFF086;
	s6 =	sadd.s32 @!p0 s3, s7;
	s7 =	simm.s32 @!p0 $0x108  }
0x21: {  	s3 =	sadd.s32 s3, s9;
	s6 =	sadd.s32 @!p0 $0x88, s6;
	s7 =	simm.s32 @p2 $0x1082  }
0x22: {  	[simem:s7], [sflag:s8] =	dma.local @!p0 [hbm:s6], $0xF7A  }
0x23: {  	s9 =	sor.u32 $0xD0000000, s2;
	s6 =	simm.s32 $0x108;
	_ =	swait.ge @!p0 [sflag:s8], $0x0  }
0x24: {  	s3 =	sadd.s32 $0x88, s3;
	s6 =	simm.s32 @!p1 $0x1082;
	[sflag:s4] =	ssyncset.s32 $0xFFFFF086  }
0x25: {  	[simem:s6], [sflag:s4] =	dma.local [hbm:s3], $0xF7A  }
0x26: {  	[smem:$0x3F9B] =	sst s1;
	(tag) =	ssettag s2;
	_ =	strace s9  }
0x27: {  	s1 =	sld [smem:$0x3FAB]  }
0x28: {  	s2 =	sld [smem:$0x3FAC]  }
0x29: {  	s4 =	sld [smem:$0x3FAE]  }
0x2a: {  	p0 =	seq.s32 s5, $0x0;
	s5 =	sld [smem:$0x3FAF]  }
0x2b: {  	s6 =	sld [smem:$0x3FB0]  }
0x2c: {  	s7 =	sld [smem:$0x3FB1]  }
0x2d: {  	s3 =	simm.s32 $0x108;
	s8 =	sld [smem:$0x3FB2]  }
0x2e: {  	s3 =	simm.s32 @!p0 $0x1082;
	s9 =	sld [smem:$0x3FB3]  }
0x2f: {  	lr =	sadd.s32 s0, s3;
	s0 =	sld [smem:$0x3FAA]  }
0x30: {  	s3 =	sld [smem:$0x3FAD]  }
0x31: {  	[smem:$0x3FB6] =	sst s10  }
0x32: {  	s10 =	sld [smem:$0x3FB4];
	_ =	sdelay $0x3  }
0x33: {  	p0 =	seq.s32 s10, $0x1;
	s10 =	sld [smem:$0x3FB6];
	_ =	sdelay $0x3  }
0x34: {  	[smem:$0x3FB6] =	sst s10  }
0x35: {  	s10 =	sld [smem:$0x3FB5];
	_ =	sdelay $0x3  }
0x36: {  	p1 =	seq.s32 s10, $0x1;
	s10 =	sld [smem:$0x3FB6];
	_ =	sdelay $0x3  }
0x37: {  	[smem:$0x3FB6] =	sst s10  }
0x38: {  	s10 =	sld [smem:$0x3FB7]  }
0x39: {  	_ = 	snop;
	(pc) =	sbr.ind lr, $3  }
0x3a: {  	_ = 	snop  }
0x3b: {  	_ = 	snop  }
0x3c: {  	p2 =	seq.s32 s10, $0x1;
	s10 =	sld [smem:$0x3FB6]  }
0x3d: {  	_ =	shalt  }
0x3e: {  	_ =	shalt  }
0x3f: {  	_ =	shalt  }
0x40: {  	_ =	shalt  }
0x41: {  	_ =	shalt  }
0x42: {  	_ =	shalt  }
0x43: {  	_ =	shalt  }
0x44: {  	_ =	shalt  }
0x45: {  	_ =	shalt  }
0x46: {  	_ =	shalt  }
0x47: {  	_ =	shalt  }
0x48: {  	_ =	shalt  }
0x49: {  	_ =	shalt  }
0x4a: {  	_ =	shalt  }
0x4b: {  	_ =	shalt  }
0x4c: {  	_ =	shalt  }
0x4d: {  	_ =	shalt  }
0x4e: {  	_ =	shalt  }
0x4f: {  	_ =	shalt  }
0x50: {  	_ =	shalt  }
0x51: {  	_ =	shalt  }
0x52: {  	_ =	shalt  }
0x53: {  	_ =	shalt  }
0x54: {  	_ =	shalt  }
0x55: {  	_ =	shalt  }
0x56: {  	_ =	shalt  }
0x57: {  	_ =	shalt  }
0x58: {  	_ =	shalt  }
0x59: {  	_ =	shalt  }
0x5a: {  	_ =	shalt  }
0x5b: {  	_ =	shalt  }
0x5c: {  	_ =	shalt  }
0x5d: {  	_ =	shalt  }
0x5e: {  	_ =	shalt  }
0x5f: {  	_ =	shalt  }
0x60: {  	_ =	shalt  }
0x61: {  	_ =	shalt  }
0x62: {  	_ =	shalt  }
0x63: {  	_ =	shalt  }
0x64: {  	_ =	shalt  }
0x65: {  	_ =	shalt  }
0x66: {  	_ =	shalt  }
0x67: {  	_ =	shalt  }
0x68: {  	_ =	shalt  }
0x69: {  	_ =	shalt  }
0x6a: {  	_ =	shalt  }
0x6b: {  	_ =	shalt  }
0x6c: {  	_ =	shalt  }
0x6d: {  	_ =	shalt  }
0x6e: {  	_ =	shalt  }
0x6f: {  	_ =	shalt  }
0x70: {  	_ =	shalt  }
0x71: {  	_ =	shalt  }
0x72: {  	_ =	shalt  }
0x73: {  	_ =	shalt  }
0x74: {  	_ =	shalt  }
0x75: {  	_ =	shalt  }
0x76: {  	_ =	shalt  }
0x77: {  	_ =	shalt  }
0x78: {  	_ =	shalt  }
0x79: {  	_ =	shalt  }
0x7a: {  	_ =	shalt  }
0x7b: {  	_ =	shalt  }
0x7c: {  	_ =	shalt  }
0x7d: {  	_ =	shalt  }
0x7e: {  	_ =	shalt  }
0x7f: {  	_ =	shalt  }
0x80: {  	_ =	shalt  }
0x81: {  	_ =	shalt  }
0x82: {  	_ =	shalt  }
0x83: {  	_ =	shalt  }
0x84: {  	_ =	shalt  }
0x85: {  	_ =	shalt  }
0x86: {  	_ =	shalt  }
0x87: {  	_ =	shalt  }
.Lfunc_end0:
.L_simem_size_0:
called_computation_lowered:
.L_overlay_start_0:
0x88: {  	s2 =	sld [smem:$0x3FD9]  }
0x89: {  	s3 =	sld [smem:$0x3FFE];
	_ =	sdelay $0x1  }
0x8a: {  	s1 =	srdreg.scid  }
0x8b: {  	s0 =	sand.u32 $0x1, s1  }
0x8c: {  	s17 =	sshll.u32 s0, $0xA;
	s2 =	sadd.s32 s3, s2  }
0x8d: {  	s2 =	sadd.s32 s2, s17  }
0x8e: {  	[smem:$0x3FC2] =	sst s2  }
0x8f: {  	_ = 	snop  }
0x90: {  	s2 =	sld [smem:$0x3FC4];
	(tm) =	ssettm $0x1  }
0x91: {  	s18 =	sld [smem:$0x3FFB];
	_ =	sdelay $0x3  }
0x92: {  	_ =	strace s18  }
0x93: {  	s3 =	sld [smem:$0x3FFC];
	_ =	sdelay $0x3  }
0x94: {  	_ =	strace s3  }
0x95: {  	s3 =	sld [smem:$0x3FFD];
	_ =	sdelay $0x3  }
0x96: {  	_ =	strace s3  }
0x97: {  	_ =	strace $0x8FFFFFFF  }
0x98: {  	s19 =	sld [smem:$0x3FDB];
	_ =	sdelay $0x1  }
0x99: {  	s4 =	simm.s32 $_scs_section_size  }
0x9a: {  	s5 =	simm.s32 $_size__tile_overlayer_lowered;
	s6 =	simm.s32 $_tile_overlayer_lowered  }
0x9b: {  	s22 =	simm.s32 $0x1BFF;
	s21 =	sshll.u32 s6, $0x1;
	s3 =	sadd.s32 s4, s19  }
0x9c: {  	s7 =	simm.s32 $0x0;
	s20 =	sshll.u32 s5, $0x1;
	s5 =	sadd.s32 s21, s3  }
0x9d: {  	[timem:s7], [sflag:s22] =	dma.local [hbm:s5], s20  }
0x9e: {  	_ =	swait.ge [sflag:s22], s20  }
0x9f: {  	s4 =	ssub.s32 $0x0, s20;
	[sflag:s22] =	ssyncset.done $0x0  }
0xa0: {  	[sflag:s22] =	ssyncadd.s32 s4;
	_ =	sdelay $0x1  }
0xa1: {  	s23 =	simm.s32 $0x1B8B  }
0xa2: {  	_ =	swait.ge [sflag:s23], $0x1  }
0xa3: {  	[sflag:s23] =	ssyncset.done $0x0  }
0xa4: {  	s25 =	simm.s32 $0x1B8E;
	s24 =	sld [smem:$0x3FFE];
	[sflag:s23] =	ssyncadd.s32 $0xFFFFFFFF  }
0xa5: {  	s26 =	simm.s32 $execute0_lowered;
	[smem:$0x3FD2] =	sst s25  }
0xa6: {  	s5 =	sshll.u32 s26, $0x1;
	_ =	strace $0x80000046;
	[dreg:$0x1] =	wrdreg $0xFFFFFFFF  }
0xa7: {  	s28 =	simm.s32 $_size_execute0_lowered;
	s3 =	sadd.s32 s3, s5;
	[dreg:$0x0] =	wrdreg $0x0  }
0xa8: {  	s5 =	sshll.u32 s28, $0x1;
	[dreg:$0x2] =	wrdreg s3  }
0xa9: {  	[dreg:$0x3] =	wrdreg s5  }
0xaa: {  	[dreg:$0x4] =	wrdreg $0xC0  }
0xab: {  	_ =	task [dreg:s7], $0x5FFFF  }
0xac: {  	[dreg:$0x1] =	wrdreg $0xFFFFFFFF  }
0xad: {  	[dreg:$0x0] =	wrdreg $0x60  }
0xae: {  	[dreg:$0x2] =	wrdreg s24  }
0xaf: {  	[dreg:$0x3] =	wrdreg s2  }
0xb0: {  	[dreg:$0x4] =	wrdreg $0x9  }
0xb1: {  	_ =	task.clear_ibuf [dreg:s7], $0x5FFFF;
	_ =	strace $0x90000046  }
0xb2: {  	s29 =	simm.s32 $0x9;
	_ =	strace $0x80000048  }
0xb3: {  	_ =	swait.ge [sflag:s29], $0x1  }
0xb4: {  	[sflag:s29] =	ssyncadd.s32 $0xFFFFFFFF  }
0xb5: {  	_ =	strace $0x90000048  }
0xb6: {  	_ =	sfence  }
0xb7: {  	s30 =	sld [smem:$0x0];
	_ =	sdelay $0x2  }
0xb8: {  	s31 =	sshll.u32 s1, $0xD;
	s1 =	sshrl.u32 s1, $0x2  }
0xb9: {  	s3 =	sand.u32 $0x4000, s31;
	s1 =	sadd.s32 s1, s30  }
0xba: {  	s0 =	sor.u32 s3, s0;
	s1 =	sshll.u32 s1, $0x11  }
0xbb: {  	s0 =	sor.u32 s1, s0  }
0xbc: {  	s0 =	sadd.s32 $0x8F2B, s0  }
0xbd: {  	[sflag:s0] =	ssyncadd.remote.s32 $0x1  }
0xbe: {  	_ =	sfence.sel $0xFFFF  }
0xbf: {  	[dreg:$0x0] =	wrdreg $0xFFFFFFFF;
	(pc) =	sbr.abs _section_cstart, $3  }
0xc0: {  	[dreg:$0x1] =	wrdreg $0xFFFFFFFF  }
0xc1: {  	_ =	task.clear_ibuf [dreg:s7], $0x2FFFF;
	_ =	strace $0x9FFFFFFF  }
0xc2: {  	(tm) =	ssettm $0x7FFFFFFF  }
0xc3: {  	_ =	shalt  }
tec
execute0_lowered:
.L_overlay_start_1:
0x0: {  	(tag) =	ssettag $0x1  }
0x1: {  	s1 =	srdreg.scid  }
0x2: {  	s12 =	rddreg [dreg:$0x0];
	s0 =	stileid.u32;
	s11 =	sand.u32 $0x1, s1  }
0x3: {  	s3 =	rddreg [dreg:$0x1];
	s4 =	sshll.u32 s0, $0x8;
	s5 =	sshll.u32 s11, $0x7  }
0x4: {  	s2 =	simm.s32 $0x0;
	s1 =	rddreg [dreg:$0x2];
	s13 =	sor.u32 s5, s4  }
0x5: {  	[smem:$0x7FF] =	sst s2;
	s4 =	sshrl.u32 s13, $0x3  }
0x6: {  	_ =	strace $0x80000047;
	s4 =	sadd.s32 s3, s4;
	s3 =	simm.s32 $0x3  }
0x7: {  	[tilespmem:s2], [sflag:$0x3] =	stream.linear.gather [hbm4b:s4+s2], $0x80, $0x38;
	[tilespmem:$0x8100] =	vst v63  }
0x8: {  	_ =	swait.ge [sflag:s3], $0x80  }
0x9: {  	[sflag:s3] =	ssyncset.done $0x0  }
0xa: {  	[sflag:s3] =	ssyncadd.s32 $0xFFFFFF80  }
0xb: {  	v0 =	vld [tilespmem:$0x70]  }
0xc: {  	v1 =	vld [tilespmem:$0x60]  }
0xd: {  	v2 =	vld [tilespmem:$0x50]  }
0xe: {  	v3 =	vld [tilespmem:$0x40]  }
0xf: {  	v4 =	vld [tilespmem:$0x30]  }
0x10: {  	v5 =	vld [tilespmem:$0x20];
	v0 =	vshrl.u32 v0, $0x7  }
0x11: {  	v6 =	vld [tilespmem:$0x10];
	v1 =	vshrl.u32 v1, $0x7;
	[tilespmem:$0xF0] =	vst v0  }
0x12: {  	v59 =	vld [tilespmem:$0x0];
	v2 =	vshrl.u32 v2, $0x7;
	[tilespmem:$0xE0] =	vst v1  }
0x13: {  	v60 =	vshrl.u32 v3, $0x7;
	[tilespmem:$0xD0] =	vst v2  }
0x14: {  	v61 =	vshrl.u32 v4, $0x7;
	[tilespmem:$0xC0] =	vst v60  }
0x15: {  	v62 =	vshrl.u32 v5, $0x7;
	[tilespmem:$0xB0] =	vst v61  }
0x16: {  	s11 =	ssub.s32 $0x2, s11;
	v63 =	vshrl.u32 v6, $0x7;
	[tilespmem:$0xA0] =	vst v62  }
0x17: {  	s8 =	simm.s32 $0x80;
	s6 =	simm.s32 $0x100;
	s14 =	sshrl.u32 s11, $0x1;
	v0 =	vshrl.u32 v59, $0x7;
	[tilespmem:$0x90] =	vst v63  }
0x18: {  	s7 =	simm.s32 $0x4100;
	s5 =	sadd.s32 $0x1F200, s12;
	s14 =	ssub.s32 s11, s14;
	[tilespmem:$0x80] =	vst v0  }
0x19: {  	[tilespmem:s6], [sflag:$0x1] =	stream.indirect.gather [hbm4b:s5+s8], $0x80, s8, s8, $0xb8;
	[tilespmem:$0x8100] =	vst v63  }
0x1a: {  	s10 =	simm.s32 $0x1;
	s9 =	sadd.s32 $0x800, s12;
	s14 =	smax.u32 s14, $0x1  }
0x1b: {  	[tilespmem:s7], [sflag:$0x2] =	stream.indirect.gather [hbm4b:s9+s8], $0x80, s8, s8, $0xb8;
	[tilespmem:$0x8100] =	vst v63  }
0x1c: {  	p0 =	sne.s32 s14, $0x1;
	_ =	swait.ge [sflag:s10], $0x4000  }
.Ltmp0:
0x1d: {  	[sflag:s10] =	ssyncset.done $0x0;
	(pc) =	sbr.rel @!p0 .LBB2_2-.Ltmp0, $4  }
0x1e: {  	s13 =	sshll.u32 s13, $0x4;
	s11 =	simm.s32 $0x2;
	[sflag:s10] =	ssyncadd.s32 $0xFFFFC000  }
0x1f: {  	s12 =	sadd.s32 s13, s12;
	_ =	swait.ge [sflag:s11], $0x4000  }
0x20: {  	s13 =	sadd.s32 $0x3DC00, s12;
	[sflag:s11] =	ssyncset.done $0x0  }
0x21: {  	s12 =	sadd.s32 $0x4DC00, s12;
	s14 =	sadd.s32 $0xFFFFFFFF, s14;
	[sflag:s11] =	ssyncadd.s32 $0xFFFFC000  }
.LBB2_1:
0x22: {  	[hbm4b:s13+s2] =	stream.linear.scatter [tilespmem:s6], [sflag:$0x3], $0x4000, $0x38;
	[tilespmem:$0x8100] =	vst v63  }
0x23: {  	p0 =	sne.s32 s14, $0x1;
	s14 =	sadd.s32 $0xFFFFFFFF, s14;
	_ =	swait.ge [sflag:s3], $0x4000  }
0x24: {  	[sflag:s3] =	ssyncset.done $0x0  }
0x25: {  	[sflag:s3] =	ssyncadd.s32 $0xFFFFC000  }
0x26: {  	[hbm4b:s12+s2] =	stream.linear.scatter [tilespmem:s7], [sflag:$0x3], $0x4000, $0x38;
	[tilespmem:$0x8100] =	vst v63  }
0x27: {  	_ =	swait.ge [sflag:s3], $0x4000  }
0x28: {  	[sflag:s3] =	ssyncset.done $0x0  }
0x29: {  	[sflag:s3] =	ssyncadd.s32 $0xFFFFC000  }
0x2a: {  	[tilespmem:s2], [sflag:$0x3] =	stream.linear.gather [hbm4b:s4+s2], $0x80, $0x38;
	[tilespmem:$0x8100] =	vst v63  }
0x2b: {  	_ =	swait.ge [sflag:s3], $0x80  }
0x2c: {  	[sflag:s3] =	ssyncset.done $0x0  }
0x2d: {  	[sflag:s3] =	ssyncadd.s32 $0xFFFFFF80  }
0x2e: {  	v0 =	vld [tilespmem:$0x70]  }
0x2f: {  	v1 =	vld [tilespmem:$0x60]  }
0x30: {  	v2 =	vld [tilespmem:$0x50]  }
0x31: {  	v3 =	vld [tilespmem:$0x40]  }
0x32: {  	v4 =	vld [tilespmem:$0x30]  }
0x33: {  	v5 =	vld [tilespmem:$0x20];
	v0 =	vshrl.u32 v0, $0x7  }
0x34: {  	v6 =	vld [tilespmem:$0x10];
	v1 =	vshrl.u32 v1, $0x7;
	[tilespmem:$0xF0] =	vst v0  }
0x35: {  	v0 =	vld [tilespmem:$0x0];
	v2 =	vshrl.u32 v2, $0x7;
	[tilespmem:$0xE0] =	vst v1  }
0x36: {  	v1 =	vshrl.u32 v3, $0x7;
	[tilespmem:$0xD0] =	vst v2  }
0x37: {  	v2 =	vshrl.u32 v4, $0x7;
	[tilespmem:$0xC0] =	vst v1  }
0x38: {  	v1 =	vshrl.u32 v5, $0x7;
	[tilespmem:$0xB0] =	vst v2  }
0x39: {  	v2 =	vshrl.u32 v6, $0x7;
	[tilespmem:$0xA0] =	vst v1  }
0x3a: {  	v0 =	vshrl.u32 v0, $0x7;
	[tilespmem:$0x90] =	vst v2  }
0x3b: {  	[tilespmem:$0x80] =	vst v0  }
0x3c: {  	[tilespmem:s6], [sflag:$0x1] =	stream.indirect.gather [hbm4b:s5+s8], $0x80, s8, s8, $0xb8;
	[tilespmem:$0x8100] =	vst v63  }
0x3d: {  	_ = 	snop  }
0x3e: {  	[tilespmem:s7], [sflag:$0x2] =	stream.indirect.gather [hbm4b:s9+s8], $0x80, s8, s8, $0xb8;
	[tilespmem:$0x8100] =	vst v63  }
0x3f: {  	_ =	swait.ge [sflag:s10], $0x4000  }
.Ltmp1:
0x40: {  	[sflag:s10] =	ssyncset.done $0x0;
	(pc) =	sbr.rel @p0 .LBB2_1-.Ltmp1, $4  }
0x41: {  	[sflag:s10] =	ssyncadd.s32 $0xFFFFC000  }
0x42: {  	_ =	swait.ge [sflag:s11], $0x4000  }
0x43: {  	[sflag:s11] =	ssyncset.done $0x0  }
0x44: {  	[sflag:s11] =	ssyncadd.s32 $0xFFFFC000  }
.LBB2_2:
0x45: {  	[hbm4b:s13+s2] =	stream.linear.scatter [tilespmem:s6], [sflag:$0x3], $0x4000, $0x38;
	[tilespmem:$0x8100] =	vst v63  }
0x46: {  	_ =	swait.ge [sflag:s3], $0x4000  }
0x47: {  	[sflag:s3] =	ssyncset.done $0x0  }
0x48: {  	[sflag:s3] =	ssyncadd.s32 $0xFFFFC000  }
0x49: {  	[hbm4b:s12+s2] =	stream.linear.scatter [tilespmem:s7], [sflag:$0x3], $0x4000, $0x38;
	[tilespmem:$0x8100] =	vst v63  }
0x4a: {  	_ =	swait.ge [sflag:s3], $0x4000  }
0x4b: {  	[sflag:s3] =	ssyncset.done $0x0  }
0x4c: {  	[sflag:s3] =	ssyncadd.s32 $0xFFFFC000  }
0x4d: {  	_ =	sfence.sel $0x180000  }
0x4e: {  	[bflag:$0x0] =	sbarrier.arrive $0xFFFF  }
0x4f: {  	p0 =	sne.s32 s0, $0x0;
	_ =	strace $0x90000047  }
0x50: {  	s0 =	sadd.s32 @!p0 $0x100000, s1;
	[bflag:$0x2] =	sbarrier.arrive $0xFFFF  }
0x51: {  	[sflag:s0] =	ssyncadd.tile.s32 @!p0 $0x1;
	_ =	shalt  }
.Lfunc_end2:
_tile_overlayer_lowered:
.L_overlay_start_2:
0x52: {  	(tag) =	ssettag $0x2  }
0x53: {  	s0 =	rddreg [dreg:$0x0];
	s2 =	stileid.u32  }
0x54: {  	s1 =	rddreg [dreg:$0x1];
	p0 =	sne.s32 s2, $0x0  }
0x55: {  	s3 =	rddreg [dreg:$0x2];
	[bflag:$0x3] =	sbarrier.arrive $0xFFFF;
	s2 =	simm.s32 @!p0 $0x1C03  }
0x56: {  	[timem:s3], [sflag:s2] =	dma.local @!p0 [hbm:s0], s1  }
0x57: {  	s0 =	simm.s32 @!p0 $0x3  }
0x58: {  	_ =	swait.ge @!p0 [sflag:s0], s1  }
0x59: {  	s1 =	ssub.s32 @!p0 $0x0, s1;
	[sflag:s0] =	ssyncset.done @!p0 $0x0  }
0x5a: {  	[sflag:s0] =	ssyncadd.s32 @!p0 s1  }
0x5b: {  	[bflag:$0x3] =	sbarrier.arrive $0xFFFF  }
0x5c: {  	_ =	shalt  }

</sc_bundles>
